<compile_context>
chip_gen: v7x
topology: tpu7x:2x2x1
jax: 0.10.2.dev20260603
libtpu: 0.0.44.dev20260713+nightly
codegen_flags: <defaults>
</compile_context>

<pallas_src>
import functools

import jax
import jax.numpy as jnp
from jax import lax
from jax.experimental import pallas as pl
from jax.experimental.pallas import tpu as pltpu
from jax.experimental.pallas import tpu_sc as plsc

WORD = 256
EMB = 16
H = WORD * EMB
T = 256
NB = H // T


def _make_sc_gather():
    info = plsc.get_sparse_core_info()
    nc, ns = info.num_cores, info.num_subcores
    nw = nc * ns
    n_active = 16
    rows_per = WORD // n_active
    mesh = plsc.VectorSubcoreMesh(core_axis_name="c", subcore_axis_name="s",
                                  num_cores=1)

    @functools.partial(
        pl.kernel,
        mesh=mesh,
        compiler_params=pltpu.CompilerParams(needs_layout_passes=False),
        out_type=jax.ShapeDtypeStruct((WORD * EMB,), jnp.float32),
        scratch_types=[
            pltpu.VMEM((WORD * EMB,), jnp.float32),
            pltpu.VMEM((rows_per,), jnp.int32),
            pltpu.VMEM((rows_per * EMB,), jnp.float32),
        ],
    )
    def sc_gather(table_hbm, idx_hbm, out_hbm, table_v, idx_v, rows_v):
        wid = lax.axis_index("s")

        @pl.when(wid < n_active)
        def _():
            pltpu.sync_copy(table_hbm, table_v)
            pltpu.sync_copy(idx_hbm.at[pl.ds(wid * rows_per, rows_per)], idx_v)
            lanes = lax.iota(jnp.int32, 16)
            iv = idx_v[...]

            dnums = lax.GatherDimensionNumbers(
                offset_dims=(), collapsed_slice_dims=(0,),
                start_index_map=(0,))

            def body(k, carry):
                kvec = jnp.full((16,), 0, jnp.int32) + k
                row = lax.gather(
                    iv, kvec[:, None], dnums, (1,),
                    mode=lax.GatherScatterMode.PROMISE_IN_BOUNDS)
                vals = plsc.load_gather(table_v, [row * EMB + lanes])
                rows_v[pl.ds(k * EMB, EMB)] = vals
                return carry

            lax.fori_loop(0, rows_per, body, 0)
            pltpu.sync_copy(
                rows_v, out_hbm.at[pl.ds(wid * rows_per * EMB, rows_per * EMB)])

    return sc_gather


_sc_gather = _make_sc_gather()


KS = 4
HK = H // KS


def _lstm_body(*refs):
    x_ref = refs[0]
    w_refs = refs[1:1 + 3 * KS]
    bi_ih, bg_ih, bo_ih, bi_hh, bg_hh, bo_hh = refs[1 + 3 * KS:7 + 3 * KS]
    h1_ref, h2_ref, c_ref = refs[7 + 3 * KS:]
    x = x_ref[...]
    dn = (((1,), (1,)), ((), ()))

    def mv(gate):
        acc = None
        for ks in range(KS):
            part = lax.dot_general(
                x[:, ks * HK:(ks + 1) * HK], w_refs[gate * KS + ks][...],
                dn, preferred_element_type=jnp.float32)
            acc = part if acc is None else acc + part
        return acc

    gi = mv(0) + bi_ih[...] + bi_hh[...]
    gg = mv(1) + bg_ih[...] + bg_hh[...]
    go = mv(2) + bo_ih[...] + bo_hh[...]
    i = jax.nn.sigmoid(gi)
    g = jnp.tanh(gg)
    o = jax.nn.sigmoid(go)
    c = i * g
    h = o * jnp.tanh(c)
    h1_ref[...] = h
    h2_ref[...] = h
    c_ref[...] = c


def _lstm_pallas(x, W_ih, b_ih2, b_hh2):
    w_spec = lambda off, ks: pl.BlockSpec(
        (T, HK), lambda j, off=off, ks=ks: (j + off, ks))
    b_spec = lambda off: pl.BlockSpec((1, T), lambda j, off=off: (0, j + off))
    in_specs = [pl.BlockSpec((1, H), lambda j: (0, 0))]
    in_specs += [w_spec(off, ks)
                 for off in (0, 2 * NB, 3 * NB) for ks in range(KS)]
    in_specs += [b_spec(0), b_spec(2 * NB), b_spec(3 * NB)] * 2
    out_specs = [pl.BlockSpec((1, T), lambda j: (0, j))] * 3
    out_shape = [jax.ShapeDtypeStruct((1, H), jnp.float32)] * 3
    return pl.pallas_call(
        _lstm_body,
        grid=(NB,),
        in_specs=in_specs,
        out_specs=out_specs,
        out_shape=out_shape,
    )(x, *([W_ih] * (3 * KS)),
      b_ih2, b_ih2, b_ih2, b_hh2, b_hh2, b_hh2)


def kernel(input, table, W_ih, W_hh, b_ih, b_hh):
    del W_hh
    idx = input.astype(jnp.int32)
    emb = _sc_gather(table.reshape(WORD * EMB), idx)
    x = emb.reshape(1, H)
    h1, h2, c = _lstm_pallas(x, W_ih,
                             b_ih.reshape(1, 4 * H), b_hh.reshape(1, 4 * H))
    return (h1.reshape(1, 1, H), h2.reshape(1, 1, H), c.reshape(1, 1, H))

# --- scband reference (transcript-rebuilt; emitter-appended) ---
"""Pipeline reference for scband-encoder-63960652972284 (READ-ONLY COPY).

The authoritative reference and input builder live on the scoring server;
editing this copy changes nothing except your own understanding.
"""

import jax, jax.numpy as jnp
import numpy as np

WORD_SIZE = 256
EMB_DIM = 16
H = WORD_SIZE * EMB_DIM  # LSTM input/hidden size = word_size * emb_dim per the module


def setup_inputs(seed: int = 0) -> dict:
    key = jax.random.key(seed)
    ks = jax.random.split(key, 6)
    inp = jax.random.randint(ks[0], (WORD_SIZE,), 0, WORD_SIZE)
    table = jax.random.normal(ks[1], (WORD_SIZE, EMB_DIM), dtype=jnp.float32)
    s = 1.0 / np.sqrt(H)
    W_ih = jax.random.uniform(ks[2], (4 * H, H), dtype=jnp.float32, minval=-s, maxval=s)
    W_hh = jax.random.uniform(ks[3], (4 * H, H), dtype=jnp.float32, minval=-s, maxval=s)
    b_ih = jax.random.uniform(ks[4], (4 * H,), dtype=jnp.float32, minval=-s, maxval=s)
    b_hh = jax.random.uniform(ks[5], (4 * H,), dtype=jnp.float32, minval=-s, maxval=s)
    return {"input": inp, "table": table, "W_ih": W_ih, "W_hh": W_hh, "b_ih": b_ih, "b_hh": b_hh}


def reference(input, table, W_ih, W_hh, b_ih, b_hh):
    # embedding lookup (gather) then flatten to a single (seq=1, batch=1, H) step
    emb = jnp.take(table, input, axis=0)  # [WORD_SIZE, EMB_DIM]
    x = emb.reshape(1, 1, -1)             # (1, 1, H)
    h0 = jnp.zeros((1, H), dtype=jnp.float32)
    c0 = jnp.zeros((1, H), dtype=jnp.float32)
    xt = x[0]                             # (1, H)
    gates = xt @ W_ih.T + b_ih + h0 @ W_hh.T + b_hh  # (1, 4H)
    i, f, g, o = jnp.split(gates, 4, axis=-1)
    i = jax.nn.sigmoid(i)
    f = jax.nn.sigmoid(f)
    g = jnp.tanh(g)
    o = jax.nn.sigmoid(o)
    c = f * c0 + i * g
    h = o * jnp.tanh(c)
    output = h.reshape(1, 1, H)
    h_n = h.reshape(1, 1, H)
    c_n = c.reshape(1, 1, H)
    return (output, h_n, c_n)

if __name__ == "__main__":
    import jax
    _d = setup_inputs()
    print(jax.jit(kernel)(*tuple(_d.values())))

</pallas_src>

<mosaic_0001>
#map = affine_map<(d0, d1) -> (0)>
module attributes {stable_mosaic.version = 14 : i64} {
  func.func @sc_gather(%arg0: i32, %arg1: i32, %arg2: memref<4096xf32, #tpu.memory_space<hbm>>, %arg3: memref<256xi32, #tpu.memory_space<hbm>>, %arg4: memref<4096xf32, #tpu.memory_space<hbm>>, %arg5: memref<4096xf32, #tpu.memory_space<vmem>>, %arg6: memref<16xi32, #tpu.memory_space<vmem>>, %arg7: memref<256xf32, #tpu.memory_space<vmem>>) attributes {dimension_semantics = [#tpu.dimension_semantics<core_parallel>, #tpu.dimension_semantics<subcore_parallel>], iteration_bounds = array<i64: 1, 16>, scalar_prefetch = 0 : i64, scratch_operands = 3 : i64, tpu.core_type = #tpu.core_type<sc_vector_subcore>, window_params = [{transform_indices = #map}, {transform_indices = #map}, {transform_indices = #map}]} {
    %lt3A = arith.constant 16 : i32
    %lt3A_0 = arith.cmpi slt, %arg1, %lt3A : i32
    %convert_element_type3A = arith.extui %lt3A_0 : i1 to i32
    %cond3A = arith.constant 0 : i32
    %cond3A_1 = arith.cmpi ne, %convert_element_type3A, %cond3A : i32
    scf.if %cond3A_1 {
      "tpu.region"() ({
        %run_scoped3A = tpu.sem_alloc : memref<!tpu.dma_semaphore, #tpu.memory_space<semaphore_mem>>
        tpu.enqueue_dma source(%arg2 : memref<4096xf32, #tpu.memory_space<hbm>>) target(%arg5 : memref<4096xf32, #tpu.memory_space<vmem>>) target_semaphore(%run_scoped3A : memref<!tpu.dma_semaphore, #tpu.memory_space<semaphore_mem>>)
        tpu.wait_dma2 semaphore(%run_scoped3A : memref<!tpu.dma_semaphore, #tpu.memory_space<semaphore_mem>>) src(%arg2 : memref<4096xf32, #tpu.memory_space<hbm>>) dst(%arg5 : memref<4096xf32, #tpu.memory_space<vmem>>)
        tpu.yield
      }) : () -> ()
      %mul3A = arith.constant 16 : i32
      %mul3A_2 = arith.muli %arg1, %mul3A : i32
      "tpu.region"() ({
        %run_scoped3A = tpu.sem_alloc : memref<!tpu.dma_semaphore, #tpu.memory_space<semaphore_mem>>
        %dma_start3A = tpu.memref_slice %arg3[%mul3A_2] : memref<256xi32, #tpu.memory_space<hbm>> -> memref<16xi32, #tpu.memory_space<hbm>>
        %dma_start3A_13 = tpu.memref_slice %arg3[%mul3A_2] : memref<256xi32, #tpu.memory_space<hbm>> -> memref<16xi32, #tpu.memory_space<hbm>>
        tpu.enqueue_dma source(%dma_start3A_13 : memref<16xi32, #tpu.memory_space<hbm>>) target(%arg6 : memref<16xi32, #tpu.memory_space<vmem>>) target_semaphore(%run_scoped3A : memref<!tpu.dma_semaphore, #tpu.memory_space<semaphore_mem>>)
        %dma_wait3A = tpu.memref_slice %arg3[%mul3A_2] : memref<256xi32, #tpu.memory_space<hbm>> -> memref<16xi32, #tpu.memory_space<hbm>>
        %dma_wait3A_14 = tpu.memref_slice %arg3[%mul3A_2] : memref<256xi32, #tpu.memory_space<hbm>> -> memref<16xi32, #tpu.memory_space<hbm>>
        tpu.wait_dma2 semaphore(%run_scoped3A : memref<!tpu.dma_semaphore, #tpu.memory_space<semaphore_mem>>) src(%dma_wait3A_14 : memref<16xi32, #tpu.memory_space<hbm>>) dst(%arg6 : memref<16xi32, #tpu.memory_space<vmem>>)
        tpu.yield
      }) : () -> ()
      %iota3A = tpu.iota {dimensions = array<i32: 0>} : vector<16xi32>
      %get3A = arith.constant 0 : index
      %get3A_3 = tpu.vector_load %arg6[%get3A] {strides = array<i32>} : memref<16xi32, #tpu.memory_space<vmem>>, vector<16xi32>,
      %scan3A = arith.constant 0 : i32
      %scan3A_4 = arith.constant 0 : i32
      %scan3A_5 = arith.constant 16 : i32
      %scan3A_6 = arith.addi %scan3A_4, %scan3A_5 : i32
      %scan3A_7 = arith.constant 1 : i32
      scf.for %scan3A_13 = %scan3A_4 to %scan3A_6 step %scan3A_7  : i32 {
        %broadcast_in_dim3A = arith.constant 0 : i32
        %broadcast_in_dim3A_14 = vector.broadcast %broadcast_in_dim3A : i32 to vector<16xi32>
        %add3A = vector.broadcast %scan3A_13 : i32 to vector<16xi32>
        %add3A_15 = arith.addi %broadcast_in_dim3A_14, %add3A : vector<16xi32>
        %broadcast_in_dim3A_16 = vector.shape_cast %add3A_15 : vector<16xi32> to vector<16x1xi32>
        %gather3A = vector.shape_cast %broadcast_in_dim3A_16 : vector<16x1xi32> to vector<16xi32>
        %gather3A_17 = tpu.dynamic_gather %get3A_3[%gather3A] in [0] : vector<16xi32>, vector<16xi32> -> vector<16xi32>
        %mul3A_18 = arith.constant 16 : i32
        %mul3A_19 = vector.broadcast %mul3A_18 : i32 to vector<16xi32>
        %mul3A_20 = arith.muli %gather3A_17, %mul3A_19 : vector<16xi32>
        %add3A_21 = arith.addi %mul3A_20, %iota3A : vector<16xi32>
        %gather3A_22 = tpu.vector_load_idx %arg5[%add3A_21] : memref<4096xf32, #tpu.memory_space<vmem>>[vector<16xi32>], vector<16xf32>,
        %mul3A_23 = arith.constant 16 : i32
        %mul3A_24 = arith.muli %scan3A_13, %mul3A_23 : i32
        %swap3A = arith.index_cast %mul3A_24 : i32 to index
        %swap3A_25 = tpu.vector_load %arg7[%swap3A] {strides = array<i32>} : memref<256xf32, #tpu.memory_space<vmem>>, vector<16xf32>,
        tpu.vector_store %arg7[%swap3A], %gather3A_22 {strides = array<i32>} : memref<256xf32, #tpu.memory_space<vmem>>, vector<16xf32>,
      }
      %scan3A_8 = arith.constant 16 : i32
      %mul3A_9 = arith.constant 16 : i32
      %mul3A_10 = arith.muli %arg1, %mul3A_9 : i32
      %mul3A_11 = arith.constant 16 : i32
      %mul3A_12 = arith.muli %mul3A_10, %mul3A_11 : i32
      "tpu.region"() ({
        %run_scoped3A = tpu.sem_alloc : memref<!tpu.dma_semaphore, #tpu.memory_space<semaphore_mem>>
        %dma_start3A = tpu.memref_slice %arg4[%mul3A_12] : memref<4096xf32, #tpu.memory_space<hbm>> -> memref<256xf32, #tpu.memory_space<hbm>>
        %dma_start3A_13 = tpu.memref_slice %arg4[%mul3A_12] : memref<4096xf32, #tpu.memory_space<hbm>> -> memref<256xf32, #tpu.memory_space<hbm>>
        tpu.enqueue_dma source(%arg7 : memref<256xf32, #tpu.memory_space<vmem>>) target(%dma_start3A_13 : memref<256xf32, #tpu.memory_space<hbm>>) target_semaphore(%run_scoped3A : memref<!tpu.dma_semaphore, #tpu.memory_space<semaphore_mem>>)
        %dma_wait3A = tpu.memref_slice %arg4[%mul3A_12] : memref<4096xf32, #tpu.memory_space<hbm>> -> memref<256xf32, #tpu.memory_space<hbm>>
        %dma_wait3A_14 = tpu.memref_slice %arg4[%mul3A_12] : memref<4096xf32, #tpu.memory_space<hbm>> -> memref<256xf32, #tpu.memory_space<hbm>>
        tpu.wait_dma2 semaphore(%run_scoped3A : memref<!tpu.dma_semaphore, #tpu.memory_space<semaphore_mem>>) src(%arg7 : memref<256xf32, #tpu.memory_space<vmem>>) dst(%dma_wait3A_14 : memref<256xf32, #tpu.memory_space<hbm>>)
        tpu.yield
      }) : () -> ()
    } else {
    }
    return
  }
}

module attributes {stable_mosaic.version = 14 : i64} {
  func.func @_lstm_body(%arg0: i32, %arg1: memref<1x4096xf32, #tpu.memory_space<vmem>>, %arg2: memref<256x1024xf32, #tpu.memory_space<vmem>>, %arg3: memref<256x1024xf32, #tpu.memory_space<vmem>>, %arg4: memref<256x1024xf32, #tpu.memory_space<vmem>>, %arg5: memref<256x1024xf32, #tpu.memory_space<vmem>>, %arg6: memref<256x1024xf32, #tpu.memory_space<vmem>>, %arg7: memref<256x1024xf32, #tpu.memory_space<vmem>>, %arg8: memref<256x1024xf32, #tpu.memory_space<vmem>>, %arg9: memref<256x1024xf32, #tpu.memory_space<vmem>>, %arg10: memref<256x1024xf32, #tpu.memory_space<vmem>>, %arg11: memref<256x1024xf32, #tpu.memory_space<vmem>>, %arg12: memref<256x1024xf32, #tpu.memory_space<vmem>>, %arg13: memref<256x1024xf32, #tpu.memory_space<vmem>>, %arg14: memref<1x256xf32, #tpu.memory_space<vmem>>, %arg15: memref<1x256xf32, #tpu.memory_space<vmem>>, %arg16: memref<1x256xf32, #tpu.memory_space<vmem>>, %arg17: memref<1x256xf32, #tpu.memory_space<vmem>>, %arg18: memref<1x256xf32, #tpu.memory_space<vmem>>, %arg19: memref<1x256xf32, #tpu.memory_space<vmem>>, %arg20: memref<1x256xf32, #tpu.memory_space<vmem>>, %arg21: memref<1x256xf32, #tpu.memory_space<vmem>>, %arg22: memref<1x256xf32, #tpu.memory_space<vmem>>) attributes {dimension_semantics = [#tpu.dimension_semantics<arbitrary>], iteration_bounds = array<i64: 16>, scalar_prefetch = 0 : i64, scratch_operands = 0 : i64, tpu.core_type = #tpu.core_type<tc>, window_params = [{pipeline_mode = #tpu.pipeline_mode<synchronous>, transform_indices = @transform_0, window_bounds = array<i64: 1, 4096>}, {transform_indices = @transform_1, window_bounds = array<i64: 256, 1024>}, {transform_indices = @transform_2, window_bounds = array<i64: 256, 1024>}, {transform_indices = @transform_3, window_bounds = array<i64: 256, 1024>}, {transform_indices = @transform_4, window_bounds = array<i64: 256, 1024>}, {transform_indices = @transform_5, window_bounds = array<i64: 256, 1024>}, {transform_indices = @transform_6, window_bounds = array<i64: 256, 1024>}, {transform_indices = @transform_7, window_bounds = array<i64: 256, 1024>}, {transform_indices = @transform_8, window_bounds = array<i64: 256, 1024>}, {transform_indices = @transform_9, window_bounds = array<i64: 256, 1024>}, {transform_indices = @transform_10, window_bounds = array<i64: 256, 1024>}, {transform_indices = @transform_11, window_bounds = array<i64: 256, 1024>}, {transform_indices = @transform_12, window_bounds = array<i64: 256, 1024>}, {transform_indices = @transform_13, window_bounds = array<i64: 1, 256>}, {transform_indices = @transform_14, window_bounds = array<i64: 1, 256>}, {transform_indices = @transform_15, window_bounds = array<i64: 1, 256>}, {transform_indices = @transform_16, window_bounds = array<i64: 1, 256>}, {transform_indices = @transform_17, window_bounds = array<i64: 1, 256>}, {transform_indices = @transform_18, window_bounds = array<i64: 1, 256>}, {transform_indices = @transform_19, window_bounds = array<i64: 1, 256>}, {transform_indices = @transform_20, window_bounds = array<i64: 1, 256>}, {transform_indices = @transform_21, window_bounds = array<i64: 1, 256>}]} {
    %get3A = arith.constant 0 : index
    %get3A_0 = arith.constant 0 : index
    %get3A_1 = vector.load %arg1[%get3A, %get3A_0] : memref<1x4096xf32, #tpu.memory_space<vmem>>, vector<1x4096xf32>
    %slice3A = vector.extract_strided_slice %get3A_1 {offsets = [0, 0], sizes = [1, 1024], strides = [1, 1]} : vector<1x4096xf32> to vector<1x1024xf32>
    %get3A_2 = arith.constant 0 : index
    %get3A_3 = arith.constant 0 : index
    %get3A_4 = vector.load %arg2[%get3A_2, %get3A_3] : memref<256x1024xf32, #tpu.memory_space<vmem>>, vector<256x1024xf32>
    %dot_general3A = arith.constant dense<0.000000e+00> : vector<1x256xf32>
    %dot_general3A_5 = tpu.matmul %slice3A, %get3A_4, %dot_general3A {dimension_numbers = #tpu.dot_dimension_numbers<[1], [1], [0], [0], [0, 0, 1, 0], [], []>, transpose_lhs_hint = false} : vector<1x1024xf32>, vector<256x1024xf32>, vector<1x256xf32> -> vector<1x256xf32>
    %slice3A_6 = vector.extract_strided_slice %get3A_1 {offsets = [0, 1024], sizes = [1, 1024], strides = [1, 1]} : vector<1x4096xf32> to vector<1x1024xf32>
    %get3A_7 = arith.constant 0 : index
    %get3A_8 = arith.constant 0 : index
    %get3A_9 = vector.load %arg3[%get3A_7, %get3A_8] : memref<256x1024xf32, #tpu.memory_space<vmem>>, vector<256x1024xf32>
    %dot_general3A_10 = arith.constant dense<0.000000e+00> : vector<1x256xf32>
    %dot_general3A_11 = tpu.matmul %slice3A_6, %get3A_9, %dot_general3A_10 {dimension_numbers = #tpu.dot_dimension_numbers<[1], [1], [0], [0], [0, 0, 1, 0], [], []>, transpose_lhs_hint = false} : vector<1x1024xf32>, vector<256x1024xf32>, vector<1x256xf32> -> vector<1x256xf32>
    %add3A = arith.addf %dot_general3A_5, %dot_general3A_11 : vector<1x256xf32>
    %slice3A_12 = vector.extract_strided_slice %get3A_1 {offsets = [0, 2048], sizes = [1, 1024], strides = [1, 1]} : vector<1x4096xf32> to vector<1x1024xf32>
    %get3A_13 = arith.constant 0 : index
    %get3A_14 = arith.constant 0 : index
    %get3A_15 = vector.load %arg4[%get3A_13, %get3A_14] : memref<256x1024xf32, #tpu.memory_space<vmem>>, vector<256x1024xf32>
    %dot_general3A_16 = arith.constant dense<0.000000e+00> : vector<1x256xf32>
    %dot_general3A_17 = tpu.matmul %slice3A_12, %get3A_15, %dot_general3A_16 {dimension_numbers = #tpu.dot_dimension_numbers<[1], [1], [0], [0], [0, 0, 1, 0], [], []>, transpose_lhs_hint = false} : vector<1x1024xf32>, vector<256x1024xf32>, vector<1x256xf32> -> vector<1x256xf32>
    %add3A_18 = arith.addf %add3A, %dot_general3A_17 : vector<1x256xf32>
    %slice3A_19 = vector.extract_strided_slice %get3A_1 {offsets = [0, 3072], sizes = [1, 1024], strides = [1, 1]} : vector<1x4096xf32> to vector<1x1024xf32>
    %get3A_20 = arith.constant 0 : index
    %get3A_21 = arith.constant 0 : index
    %get3A_22 = vector.load %arg5[%get3A_20, %get3A_21] : memref<256x1024xf32, #tpu.memory_space<vmem>>, vector<256x1024xf32>
    %dot_general3A_23 = arith.constant dense<0.000000e+00> : vector<1x256xf32>
    %dot_general3A_24 = tpu.matmul %slice3A_19, %get3A_22, %dot_general3A_23 {dimension_numbers = #tpu.dot_dimension_numbers<[1], [1], [0], [0], [0, 0, 1, 0], [], []>, transpose_lhs_hint = false} : vector<1x1024xf32>, vector<256x1024xf32>, vector<1x256xf32> -> vector<1x256xf32>
    %add3A_25 = arith.addf %add3A_18, %dot_general3A_24 : vector<1x256xf32>
    %get3A_26 = arith.constant 0 : index
    %get3A_27 = arith.constant 0 : index
    %get3A_28 = vector.load %arg14[%get3A_26, %get3A_27] : memref<1x256xf32, #tpu.memory_space<vmem>>, vector<1x256xf32>
    %add3A_29 = arith.addf %add3A_25, %get3A_28 : vector<1x256xf32>
    %get3A_30 = arith.constant 0 : index
    %get3A_31 = arith.constant 0 : index
    %get3A_32 = vector.load %arg17[%get3A_30, %get3A_31] : memref<1x256xf32, #tpu.memory_space<vmem>>, vector<1x256xf32>
    %add3A_33 = arith.addf %add3A_29, %get3A_32 : vector<1x256xf32>
    %slice3A_34 = vector.extract_strided_slice %get3A_1 {offsets = [0, 0], sizes = [1, 1024], strides = [1, 1]} : vector<1x4096xf32> to vector<1x1024xf32>
    %get3A_35 = arith.constant 0 : index
    %get3A_36 = arith.constant 0 : index
    %get3A_37 = vector.load %arg6[%get3A_35, %get3A_36] : memref<256x1024xf32, #tpu.memory_space<vmem>>, vector<256x1024xf32>
    %dot_general3A_38 = arith.constant dense<0.000000e+00> : vector<1x256xf32>
    %dot_general3A_39 = tpu.matmul %slice3A_34, %get3A_37, %dot_general3A_38 {dimension_numbers = #tpu.dot_dimension_numbers<[1], [1], [0], [0], [0, 0, 1, 0], [], []>, transpose_lhs_hint = false} : vector<1x1024xf32>, vector<256x1024xf32>, vector<1x256xf32> -> vector<1x256xf32>
    %slice3A_40 = vector.extract_strided_slice %get3A_1 {offsets = [0, 1024], sizes = [1, 1024], strides = [1, 1]} : vector<1x4096xf32> to vector<1x1024xf32>
    %get3A_41 = arith.constant 0 : index
    %get3A_42 = arith.constant 0 : index
    %get3A_43 = vector.load %arg7[%get3A_41, %get3A_42] : memref<256x1024xf32, #tpu.memory_space<vmem>>, vector<256x1024xf32>
    %dot_general3A_44 = arith.constant dense<0.000000e+00> : vector<1x256xf32>
    %dot_general3A_45 = tpu.matmul %slice3A_40, %get3A_43, %dot_general3A_44 {dimension_numbers = #tpu.dot_dimension_numbers<[1], [1], [0], [0], [0, 0, 1, 0], [], []>, transpose_lhs_hint = false} : vector<1x1024xf32>, vector<256x1024xf32>, vector<1x256xf32> -> vector<1x256xf32>
    %add3A_46 = arith.addf %dot_general3A_39, %dot_general3A_45 : vector<1x256xf32>
    %slice3A_47 = vector.extract_strided_slice %get3A_1 {offsets = [0, 2048], sizes = [1, 1024], strides = [1, 1]} : vector<1x4096xf32> to vector<1x1024xf32>
    %get3A_48 = arith.constant 0 : index
    %get3A_49 = arith.constant 0 : index
    %get3A_50 = vector.load %arg8[%get3A_48, %get3A_49] : memref<256x1024xf32, #tpu.memory_space<vmem>>, vector<256x1024xf32>
    %dot_general3A_51 = arith.constant dense<0.000000e+00> : vector<1x256xf32>
    %dot_general3A_52 = tpu.matmul %slice3A_47, %get3A_50, %dot_general3A_51 {dimension_numbers = #tpu.dot_dimension_numbers<[1], [1], [0], [0], [0, 0, 1, 0], [], []>, transpose_lhs_hint = false} : vector<1x1024xf32>, vector<256x1024xf32>, vector<1x256xf32> -> vector<1x256xf32>
    %add3A_53 = arith.addf %add3A_46, %dot_general3A_52 : vector<1x256xf32>
    %slice3A_54 = vector.extract_strided_slice %get3A_1 {offsets = [0, 3072], sizes = [1, 1024], strides = [1, 1]} : vector<1x4096xf32> to vector<1x1024xf32>
    %get3A_55 = arith.constant 0 : index
    %get3A_56 = arith.constant 0 : index
    %get3A_57 = vector.load %arg9[%get3A_55, %get3A_56] : memref<256x1024xf32, #tpu.memory_space<vmem>>, vector<256x1024xf32>
    %dot_general3A_58 = arith.constant dense<0.000000e+00> : vector<1x256xf32>
    %dot_general3A_59 = tpu.matmul %slice3A_54, %get3A_57, %dot_general3A_58 {dimension_numbers = #tpu.dot_dimension_numbers<[1], [1], [0], [0], [0, 0, 1, 0], [], []>, transpose_lhs_hint = false} : vector<1x1024xf32>, vector<256x1024xf32>, vector<1x256xf32> -> vector<1x256xf32>
    %add3A_60 = arith.addf %add3A_53, %dot_general3A_59 : vector<1x256xf32>
    %get3A_61 = arith.constant 0 : index
    %get3A_62 = arith.constant 0 : index
    %get3A_63 = vector.load %arg15[%get3A_61, %get3A_62] : memref<1x256xf32, #tpu.memory_space<vmem>>, vector<1x256xf32>
    %add3A_64 = arith.addf %add3A_60, %get3A_63 : vector<1x256xf32>
    %get3A_65 = arith.constant 0 : index
    %get3A_66 = arith.constant 0 : index
    %get3A_67 = vector.load %arg18[%get3A_65, %get3A_66] : memref<1x256xf32, #tpu.memory_space<vmem>>, vector<1x256xf32>
    %add3A_68 = arith.addf %add3A_64, %get3A_67 : vector<1x256xf32>
    %slice3A_69 = vector.extract_strided_slice %get3A_1 {offsets = [0, 0], sizes = [1, 1024], strides = [1, 1]} : vector<1x4096xf32> to vector<1x1024xf32>
    %get3A_70 = arith.constant 0 : index
    %get3A_71 = arith.constant 0 : index
    %get3A_72 = vector.load %arg10[%get3A_70, %get3A_71] : memref<256x1024xf32, #tpu.memory_space<vmem>>, vector<256x1024xf32>
    %dot_general3A_73 = arith.constant dense<0.000000e+00> : vector<1x256xf32>
    %dot_general3A_74 = tpu.matmul %slice3A_69, %get3A_72, %dot_general3A_73 {dimension_numbers = #tpu.dot_dimension_numbers<[1], [1], [0], [0], [0, 0, 1, 0], [], []>, transpose_lhs_hint = false} : vector<1x1024xf32>, vector<256x1024xf32>, vector<1x256xf32> -> vector<1x256xf32>
    %slice3A_75 = vector.extract_strided_slice %get3A_1 {offsets = [0, 1024], sizes = [1, 1024], strides = [1, 1]} : vector<1x4096xf32> to vector<1x1024xf32>
    %get3A_76 = arith.constant 0 : index
    %get3A_77 = arith.constant 0 : index
    %get3A_78 = vector.load %arg11[%get3A_76, %get3A_77] : memref<256x1024xf32, #tpu.memory_space<vmem>>, vector<256x1024xf32>
    %dot_general3A_79 = arith.constant dense<0.000000e+00> : vector<1x256xf32>
    %dot_general3A_80 = tpu.matmul %slice3A_75, %get3A_78, %dot_general3A_79 {dimension_numbers = #tpu.dot_dimension_numbers<[1], [1], [0], [0], [0, 0, 1, 0], [], []>, transpose_lhs_hint = false} : vector<1x1024xf32>, vector<256x1024xf32>, vector<1x256xf32> -> vector<1x256xf32>
    %add3A_81 = arith.addf %dot_general3A_74, %dot_general3A_80 : vector<1x256xf32>
    %slice3A_82 = vector.extract_strided_slice %get3A_1 {offsets = [0, 2048], sizes = [1, 1024], strides = [1, 1]} : vector<1x4096xf32> to vector<1x1024xf32>
    %get3A_83 = arith.constant 0 : index
    %get3A_84 = arith.constant 0 : index
    %get3A_85 = vector.load %arg12[%get3A_83, %get3A_84] : memref<256x1024xf32, #tpu.memory_space<vmem>>, vector<256x1024xf32>
    %dot_general3A_86 = arith.constant dense<0.000000e+00> : vector<1x256xf32>
    %dot_general3A_87 = tpu.matmul %slice3A_82, %get3A_85, %dot_general3A_86 {dimension_numbers = #tpu.dot_dimension_numbers<[1], [1], [0], [0], [0, 0, 1, 0], [], []>, transpose_lhs_hint = false} : vector<1x1024xf32>, vector<256x1024xf32>, vector<1x256xf32> -> vector<1x256xf32>
    %add3A_88 = arith.addf %add3A_81, %dot_general3A_87 : vector<1x256xf32>
    %slice3A_89 = vector.extract_strided_slice %get3A_1 {offsets = [0, 3072], sizes = [1, 1024], strides = [1, 1]} : vector<1x4096xf32> to vector<1x1024xf32>
    %get3A_90 = arith.constant 0 : index
    %get3A_91 = arith.constant 0 : index
    %get3A_92 = vector.load %arg13[%get3A_90, %get3A_91] : memref<256x1024xf32, #tpu.memory_space<vmem>>, vector<256x1024xf32>
    %dot_general3A_93 = arith.constant dense<0.000000e+00> : vector<1x256xf32>
    %dot_general3A_94 = tpu.matmul %slice3A_89, %get3A_92, %dot_general3A_93 {dimension_numbers = #tpu.dot_dimension_numbers<[1], [1], [0], [0], [0, 0, 1, 0], [], []>, transpose_lhs_hint = false} : vector<1x1024xf32>, vector<256x1024xf32>, vector<1x256xf32> -> vector<1x256xf32>
    %add3A_95 = arith.addf %add3A_88, %dot_general3A_94 : vector<1x256xf32>
    %get3A_96 = arith.constant 0 : index
    %get3A_97 = arith.constant 0 : index
    %get3A_98 = vector.load %arg16[%get3A_96, %get3A_97] : memref<1x256xf32, #tpu.memory_space<vmem>>, vector<1x256xf32>
    %add3A_99 = arith.addf %add3A_95, %get3A_98 : vector<1x256xf32>
    %get3A_100 = arith.constant 0 : index
    %get3A_101 = arith.constant 0 : index
    %get3A_102 = vector.load %arg19[%get3A_100, %get3A_101] : memref<1x256xf32, #tpu.memory_space<vmem>>, vector<1x256xf32>
    %add3A_103 = arith.addf %add3A_99, %get3A_102 : vector<1x256xf32>
    %logistic3A = arith.negf %add3A_33 : vector<1x256xf32>
    %logistic3A_104 = math.exp %logistic3A : vector<1x256xf32>
    %logistic3A_105 = arith.constant 1.000000e+00 : f32
    %logistic3A_106 = vector.broadcast %logistic3A_105 : f32 to vector<1x256xf32>
    %logistic3A_107 = arith.addf %logistic3A_106, %logistic3A_104 : vector<1x256xf32>
    %logistic3A_108 = arith.divf %logistic3A_106, %logistic3A_107 : vector<1x256xf32>
    %tanh3A = math.tanh %add3A_68 : vector<1x256xf32>
    %logistic3A_109 = arith.negf %add3A_103 : vector<1x256xf32>
    %logistic3A_110 = math.exp %logistic3A_109 : vector<1x256xf32>
    %logistic3A_111 = arith.constant 1.000000e+00 : f32
    %logistic3A_112 = vector.broadcast %logistic3A_111 : f32 to vector<1x256xf32>
    %logistic3A_113 = arith.addf %logistic3A_112, %logistic3A_110 : vector<1x256xf32>
    %logistic3A_114 = arith.divf %logistic3A_112, %logistic3A_113 : vector<1x256xf32>
    %mul3A = arith.mulf %logistic3A_108, %tanh3A : vector<1x256xf32>
    %tanh3A_115 = math.tanh %mul3A : vector<1x256xf32>
    %mul3A_116 = arith.mulf %logistic3A_114, %tanh3A_115 : vector<1x256xf32>
    %swap3A = arith.constant 0 : index
    %swap3A_117 = arith.constant 0 : index
    %swap3A_118 = vector.load %arg20[%swap3A, %swap3A_117] : memref<1x256xf32, #tpu.memory_space<vmem>>, vector<1x256xf32>
    tpu.vector_store %arg20[%swap3A, %swap3A_117], %mul3A_116 {strides = array<i32>} : memref<1x256xf32, #tpu.memory_space<vmem>>, vector<1x256xf32>,
    %swap3A_119 = arith.constant 0 : index
    %swap3A_120 = arith.constant 0 : index
    %swap3A_121 = vector.load %arg21[%swap3A_119, %swap3A_120] : memref<1x256xf32, #tpu.memory_space<vmem>>, vector<1x256xf32>
    tpu.vector_store %arg21[%swap3A_119, %swap3A_120], %mul3A_116 {strides = array<i32>} : memref<1x256xf32, #tpu.memory_space<vmem>>, vector<1x256xf32>,
    %swap3A_122 = arith.constant 0 : index
    %swap3A_123 = arith.constant 0 : index
    %swap3A_124 = vector.load %arg22[%swap3A_122, %swap3A_123] : memref<1x256xf32, #tpu.memory_space<vmem>>, vector<1x256xf32>
    tpu.vector_store %arg22[%swap3A_122, %swap3A_123], %mul3A {strides = array<i32>} : memref<1x256xf32, #tpu.memory_space<vmem>>, vector<1x256xf32>,
    return
  }
  func.func @transform_0(%arg0: i32) -> (i32, i32) {
    %c0_i32 = arith.constant 0 : i32
    %c0_i32_0 = arith.constant 0 : i32
    %c0_i32_1 = arith.constant 0 : i32
    return %c0_i32, %c0_i32_0 : i32, i32
  }
  func.func @transform_1(%arg0: i32) -> (i32, i32) {
    %add3A = arith.constant 0 : i32
    %add3A_0 = arith.addi %arg0, %add3A : i32
    %c0_i32 = arith.constant 0 : i32
    %c0_i32_1 = arith.constant 0 : i32
    return %add3A_0, %c0_i32 : i32, i32
  }
  func.func @transform_2(%arg0: i32) -> (i32, i32) {
    %add3A = arith.constant 0 : i32
    %add3A_0 = arith.addi %arg0, %add3A : i32
    %c1_i32 = arith.constant 1 : i32
    %c0_i32 = arith.constant 0 : i32
    return %add3A_0, %c1_i32 : i32, i32
  }
  func.func @transform_3(%arg0: i32) -> (i32, i32) {
    %add3A = arith.constant 0 : i32
    %add3A_0 = arith.addi %arg0, %add3A : i32
    %c2_i32 = arith.constant 2 : i32
    %c0_i32 = arith.constant 0 : i32
    return %add3A_0, %c2_i32 : i32, i32
  }
  func.func @transform_4(%arg0: i32) -> (i32, i32) {
    %add3A = arith.constant 0 : i32
    %add3A_0 = arith.addi %arg0, %add3A : i32
    %c3_i32 = arith.constant 3 : i32
    %c0_i32 = arith.constant 0 : i32
    return %add3A_0, %c3_i32 : i32, i32
  }
  func.func @transform_5(%arg0: i32) -> (i32, i32) {
    %add3A = arith.constant 32 : i32
    %add3A_0 = arith.addi %arg0, %add3A : i32
    %c0_i32 = arith.constant 0 : i32
    %c0_i32_1 = arith.constant 0 : i32
    return %add3A_0, %c0_i32 : i32, i32
  }
  func.func @transform_6(%arg0: i32) -> (i32, i32) {
    %add3A = arith.constant 32 : i32
    %add3A_0 = arith.addi %arg0, %add3A : i32
    %c1_i32 = arith.constant 1 : i32
    %c0_i32 = arith.constant 0 : i32
    return %add3A_0, %c1_i32 : i32, i32
  }
  func.func @transform_7(%arg0: i32) -> (i32, i32) {
    %add3A = arith.constant 32 : i32
    %add3A_0 = arith.addi %arg0, %add3A : i32
    %c2_i32 = arith.constant 2 : i32
    %c0_i32 = arith.constant 0 : i32
    return %add3A_0, %c2_i32 : i32, i32
  }
  func.func @transform_8(%arg0: i32) -> (i32, i32) {
    %add3A = arith.constant 32 : i32
    %add3A_0 = arith.addi %arg0, %add3A : i32
    %c3_i32 = arith.constant 3 : i32
    %c0_i32 = arith.constant 0 : i32
    return %add3A_0, %c3_i32 : i32, i32
  }
  func.func @transform_9(%arg0: i32) -> (i32, i32) {
    %add3A = arith.constant 48 : i32
    %add3A_0 = arith.addi %arg0, %add3A : i32
    %c0_i32 = arith.constant 0 : i32
    %c0_i32_1 = arith.constant 0 : i32
    return %add3A_0, %c0_i32 : i32, i32
  }
  func.func @transform_10(%arg0: i32) -> (i32, i32) {
    %add3A = arith.constant 48 : i32
    %add3A_0 = arith.addi %arg0, %add3A : i32
    %c1_i32 = arith.constant 1 : i32
    %c0_i32 = arith.constant 0 : i32
    return %add3A_0, %c1_i32 : i32, i32
  }
  func.func @transform_11(%arg0: i32) -> (i32, i32) {
    %add3A = arith.constant 48 : i32
    %add3A_0 = arith.addi %arg0, %add3A : i32
    %c2_i32 = arith.constant 2 : i32
    %c0_i32 = arith.constant 0 : i32
    return %add3A_0, %c2_i32 : i32, i32
  }
  func.func @transform_12(%arg0: i32) -> (i32, i32) {
    %add3A = arith.constant 48 : i32
    %add3A_0 = arith.addi %arg0, %add3A : i32
    %c3_i32 = arith.constant 3 : i32
    %c0_i32 = arith.constant 0 : i32
    return %add3A_0, %c3_i32 : i32, i32
  }
  func.func @transform_13(%arg0: i32) -> (i32, i32) {
    %add3A = arith.constant 0 : i32
    %add3A_0 = arith.addi %arg0, %add3A : i32
    %c0_i32 = arith.constant 0 : i32
    %c0_i32_1 = arith.constant 0 : i32
    return %c0_i32, %add3A_0 : i32, i32
  }
  func.func @transform_14(%arg0: i32) -> (i32, i32) {
    %add3A = arith.constant 32 : i32
    %add3A_0 = arith.addi %arg0, %add3A : i32
    %c0_i32 = arith.constant 0 : i32
    %c0_i32_1 = arith.constant 0 : i32
    return %c0_i32, %add3A_0 : i32, i32
  }
  func.func @transform_15(%arg0: i32) -> (i32, i32) {
    %add3A = arith.constant 48 : i32
    %add3A_0 = arith.addi %arg0, %add3A : i32
    %c0_i32 = arith.constant 0 : i32
    %c0_i32_1 = arith.constant 0 : i32
    return %c0_i32, %add3A_0 : i32, i32
  }
  func.func @transform_16(%arg0: i32) -> (i32, i32) {
    %add3A = arith.constant 0 : i32
    %add3A_0 = arith.addi %arg0, %add3A : i32
    %c0_i32 = arith.constant 0 : i32
    %c0_i32_1 = arith.constant 0 : i32
    return %c0_i32, %add3A_0 : i32, i32
  }
  func.func @transform_17(%arg0: i32) -> (i32, i32) {
    %add3A = arith.constant 32 : i32
    %add3A_0 = arith.addi %arg0, %add3A : i32
    %c0_i32 = arith.constant 0 : i32
    %c0_i32_1 = arith.constant 0 : i32
    return %c0_i32, %add3A_0 : i32, i32
  }
  func.func @transform_18(%arg0: i32) -> (i32, i32) {
    %add3A = arith.constant 48 : i32
    %add3A_0 = arith.addi %arg0, %add3A : i32
    %c0_i32 = arith.constant 0 : i32
    %c0_i32_1 = arith.constant 0 : i32
    return %c0_i32, %add3A_0 : i32, i32
  }
  func.func @transform_19(%arg0: i32) -> (i32, i32) {
    %c0_i32 = arith.constant 0 : i32
    %c0_i32_0 = arith.constant 0 : i32
    return %c0_i32, %arg0 : i32, i32
  }
  func.func @transform_20(%arg0: i32) -> (i32, i32) {
    %c0_i32 = arith.constant 0 : i32
    %c0_i32_0 = arith.constant 0 : i32
    return %c0_i32, %arg0 : i32, i32
  }
  func.func @transform_21(%arg0: i32) -> (i32, i32) {
    %c0_i32 = arith.constant 0 : i32
    %c0_i32_0 = arith.constant 0 : i32
    return %c0_i32, %arg0 : i32, i32
  }
}

</mosaic_0001>

<sc_bundles>
// kernel: kernel.4.cloned.1.call-start
scs
__scs_entry_jumppad:
0x0: {  	(pc) =	sbr.rel $0x88, $3  }
0x1: {  	(tag) =	ssettag $0x0;
	lr =	simm.s32 $0x1  }
0x2: {  	[smem:$0x3F9C] =	sst lr;
	_ =	strace $0xD0000000  }
0x3: {  	_ = 	snop  }
0x4: {  	_ = 	snop  }
0x5: {  	_ = 	snop  }
0x6: {  	_ = 	snop  }
0x7: {  	_ = 	snop  }
__scs_overlays_trampoline_lowered:
0x8: {  	[smem:$0x3FAB] =	sst s0  }
0x9: {  	[smem:$0x3FAC] =	sst s1  }
0xa: {  	[smem:$0x3FAD] =	sst s2  }
0xb: {  	[smem:$0x3FAE] =	sst s3  }
0xc: {  	[smem:$0x3FAF] =	sst s4  }
0xd: {  	[smem:$0x3FB0] =	sst s5  }
0xe: {  	[smem:$0x3FB1] =	sst s6  }
0xf: {  	[smem:$0x3FB2] =	sst s7  }
0x10: {  	[smem:$0x3FB3] =	sst s8  }
0x11: {  	[smem:$0x3FB4] =	sst s9;
	s0 =	simm.s32 @!p0 $0x0  }
0x12: {  	s1 =	sld [smem:$0x3F9A];
	s0 =	simm.s32 @p0 $0x1  }
0x13: {  	[smem:$0x3FB5] =	sst s0;
	s0 =	simm.s32 @!p1 $0x0  }
0x14: {  	s2 =	sld [smem:$0x3F99];
	s0 =	simm.s32 @p1 $0x1  }
0x15: {  	[smem:$0x3FB6] =	sst s0;
	s0 =	simm.s32 @!p2 $0x0  }
0x16: {  	s3 =	sld [smem:$0x3FDB];
	s0 =	simm.s32 @p2 $0x1  }
0x17: {  	s4 =	simm.s32 $0x1BF5;
	[smem:$0x3FB8] =	sst s0  }
0x18: {  	s0 =	sld [smem:$0x3F9B];
	_ =	swait.ge [sflag:s4], $0x0  }
0x19: {  	s7 =	sld [smem:$0x3F9C]  }
0x1a: {  	s8 =	sadd.s32 $0xFFFFE003, lr  }
0x1b: {  	s9 =	sadd.s32 $0xFFFFFEF7, lr;
	s5 =	simm.s32 $0xFFFFFFFF;
	p2 =	slt.u32 s8, $0xFFFFF086  }
0x1c: {  	p1 =	slt.u32 s9, $0xF7A;
	s5 =	simm.s32 @!p2 $0x0  }
0x1d: {  	s5 =	simm.s32 @p1 $0x1;
	p0 =	seq.s32 s7, s2  }
0x1e: {  	s7 =	smul.u32 @!p0 $0xF7A, s2;
	p2 =	seq.s32 @!p0 s5, $0x0  }
0x1f: {  	s9 =	smul.u32 $0xF7A, s1;
	s8 =	simm.s32 @!p0 $0x1BF5;
	p2 =	por !p2, p0  }
0x20: {  	[sflag:s8] =	ssyncset.s32 @!p0 $0xFFFFF086;
	s6 =	sadd.s32 @!p0 s3, s7;
	s7 =	simm.s32 @!p0 $0x108  }
0x21: {  	s3 =	sadd.s32 s3, s9;
	s6 =	sadd.s32 @!p0 $0x88, s6;
	s7 =	simm.s32 @p2 $0x1082  }
0x22: {  	[simem:s7], [sflag:s8] =	dma.local @!p0 [hbm:s6], $0xF7A  }
0x23: {  	s9 =	sor.u32 $0xD0000000, s2;
	s6 =	simm.s32 $0x108;
	_ =	swait.ge @!p0 [sflag:s8], $0x0  }
0x24: {  	s3 =	sadd.s32 $0x88, s3;
	s6 =	simm.s32 @!p1 $0x1082;
	[sflag:s4] =	ssyncset.s32 $0xFFFFF086  }
0x25: {  	[simem:s6], [sflag:s4] =	dma.local [hbm:s3], $0xF7A  }
0x26: {  	[smem:$0x3F9C] =	sst s1;
	(tag) =	ssettag s2;
	_ =	strace s9  }
0x27: {  	s1 =	sld [smem:$0x3FAC]  }
0x28: {  	s2 =	sld [smem:$0x3FAD]  }
0x29: {  	s4 =	sld [smem:$0x3FAF]  }
0x2a: {  	p0 =	seq.s32 s5, $0x0;
	s5 =	sld [smem:$0x3FB0]  }
0x2b: {  	s6 =	sld [smem:$0x3FB1]  }
0x2c: {  	s7 =	sld [smem:$0x3FB2]  }
0x2d: {  	s3 =	simm.s32 $0x108;
	s8 =	sld [smem:$0x3FB3]  }
0x2e: {  	s3 =	simm.s32 @!p0 $0x1082;
	s9 =	sld [smem:$0x3FB4]  }
0x2f: {  	lr =	sadd.s32 s0, s3;
	s0 =	sld [smem:$0x3FAB]  }
0x30: {  	s3 =	sld [smem:$0x3FAE]  }
0x31: {  	[smem:$0x3FB7] =	sst s10  }
0x32: {  	s10 =	sld [smem:$0x3FB5];
	_ =	sdelay $0x3  }
0x33: {  	p0 =	seq.s32 s10, $0x1;
	s10 =	sld [smem:$0x3FB7];
	_ =	sdelay $0x3  }
0x34: {  	[smem:$0x3FB7] =	sst s10  }
0x35: {  	s10 =	sld [smem:$0x3FB6];
	_ =	sdelay $0x3  }
0x36: {  	p1 =	seq.s32 s10, $0x1;
	s10 =	sld [smem:$0x3FB7];
	_ =	sdelay $0x3  }
0x37: {  	[smem:$0x3FB7] =	sst s10  }
0x38: {  	s10 =	sld [smem:$0x3FB8]  }
0x39: {  	_ = 	snop;
	(pc) =	sbr.ind lr, $3  }
0x3a: {  	_ = 	snop  }
0x3b: {  	_ = 	snop  }
0x3c: {  	p2 =	seq.s32 s10, $0x1;
	s10 =	sld [smem:$0x3FB7]  }
0x3d: {  	_ =	shalt  }
0x3e: {  	_ =	shalt  }
0x3f: {  	_ =	shalt  }
0x40: {  	_ =	shalt  }
0x41: {  	_ =	shalt  }
0x42: {  	_ =	shalt  }
0x43: {  	_ =	shalt  }
0x44: {  	_ =	shalt  }
0x45: {  	_ =	shalt  }
0x46: {  	_ =	shalt  }
0x47: {  	_ =	shalt  }
0x48: {  	_ =	shalt  }
0x49: {  	_ =	shalt  }
0x4a: {  	_ =	shalt  }
0x4b: {  	_ =	shalt  }
0x4c: {  	_ =	shalt  }
0x4d: {  	_ =	shalt  }
0x4e: {  	_ =	shalt  }
0x4f: {  	_ =	shalt  }
0x50: {  	_ =	shalt  }
0x51: {  	_ =	shalt  }
0x52: {  	_ =	shalt  }
0x53: {  	_ =	shalt  }
0x54: {  	_ =	shalt  }
0x55: {  	_ =	shalt  }
0x56: {  	_ =	shalt  }
0x57: {  	_ =	shalt  }
0x58: {  	_ =	shalt  }
0x59: {  	_ =	shalt  }
0x5a: {  	_ =	shalt  }
0x5b: {  	_ =	shalt  }
0x5c: {  	_ =	shalt  }
0x5d: {  	_ =	shalt  }
0x5e: {  	_ =	shalt  }
0x5f: {  	_ =	shalt  }
0x60: {  	_ =	shalt  }
0x61: {  	_ =	shalt  }
0x62: {  	_ =	shalt  }
0x63: {  	_ =	shalt  }
0x64: {  	_ =	shalt  }
0x65: {  	_ =	shalt  }
0x66: {  	_ =	shalt  }
0x67: {  	_ =	shalt  }
0x68: {  	_ =	shalt  }
0x69: {  	_ =	shalt  }
0x6a: {  	_ =	shalt  }
0x6b: {  	_ =	shalt  }
0x6c: {  	_ =	shalt  }
0x6d: {  	_ =	shalt  }
0x6e: {  	_ =	shalt  }
0x6f: {  	_ =	shalt  }
0x70: {  	_ =	shalt  }
0x71: {  	_ =	shalt  }
0x72: {  	_ =	shalt  }
0x73: {  	_ =	shalt  }
0x74: {  	_ =	shalt  }
0x75: {  	_ =	shalt  }
0x76: {  	_ =	shalt  }
0x77: {  	_ =	shalt  }
0x78: {  	_ =	shalt  }
0x79: {  	_ =	shalt  }
0x7a: {  	_ =	shalt  }
0x7b: {  	_ =	shalt  }
0x7c: {  	_ =	shalt  }
0x7d: {  	_ =	shalt  }
0x7e: {  	_ =	shalt  }
0x7f: {  	_ =	shalt  }
0x80: {  	_ =	shalt  }
0x81: {  	_ =	shalt  }
0x82: {  	_ =	shalt  }
0x83: {  	_ =	shalt  }
0x84: {  	_ =	shalt  }
0x85: {  	_ =	shalt  }
0x86: {  	_ =	shalt  }
0x87: {  	_ =	shalt  }
.Lfunc_end0:
.L_simem_size_0:
called_computation_lowered:
.L_overlay_start_0:
0x88: {  	s0 =	sld [smem:$0x3FD9]  }
0x89: {  	s1 =	sld [smem:$0x3FFE];
	_ =	sdelay $0x3  }
0x8a: {  	s0 =	sadd.s32 s1, s0  }
0x8b: {  	[smem:$0x3FC3] =	sst s0  }
0x8c: {  	_ = 	snop  }
0x8d: {  	s0 =	sld [smem:$0x3FD0];
	_ =	sdelay $0x2  }
0x8e: {  	s2 =	simm.s32 $0xA;
	s3 =	simm.s32 $0x10;
	s14 =	sld [smem:$0x3FC9]  }
0x8f: {  	[smem:s3], [sflag:s2] =	dma.local [hbm:s0], $0x1  }
0x90: {  	_ =	swait.eq [sflag:s2], $0x1  }
0x91: {  	[sflag:s2] =	ssyncset.done $0x0  }
0x92: {  	s15 =	sld [smem:$0x11];
	[sflag:s2] =	ssyncadd.s32 $0xFFFFFFFF  }
0x93: {  	s16 =	sld [smem:$0x12];
	(tm) =	ssettm $0x1  }
0x94: {  	s17 =	sld [smem:$0x3FFB];
	_ =	sdelay $0x3  }
0x95: {  	_ =	strace s17  }
0x96: {  	s3 =	sld [smem:$0x3FFC];
	_ =	sdelay $0x3  }
0x97: {  	_ =	strace s3  }
0x98: {  	s3 =	sld [smem:$0x3FFD];
	_ =	sdelay $0x3  }
0x99: {  	_ =	strace s3  }
0x9a: {  	_ =	strace $0x8FFFFFFF  }
0x9b: {  	s18 =	sld [smem:$0x3FDB];
	_ =	sdelay $0x1  }
0x9c: {  	s4 =	simm.s32 $_scs_section_size  }
0x9d: {  	s5 =	simm.s32 $_size__tile_overlayer_lowered;
	s6 =	simm.s32 $_tile_overlayer_lowered  }
0x9e: {  	s21 =	simm.s32 $0x1BFF;
	s20 =	sshll.u32 s6, $0x1;
	s3 =	sadd.s32 s4, s18  }
0x9f: {  	s7 =	simm.s32 $0x0;
	s19 =	sshll.u32 s5, $0x1;
	s5 =	sadd.s32 s20, s3  }
0xa0: {  	[timem:s7], [sflag:s21] =	dma.local [hbm:s5], s19  }
0xa1: {  	_ =	swait.ge [sflag:s21], s19  }
0xa2: {  	s4 =	ssub.s32 $0x0, s19;
	[sflag:s21] =	ssyncset.done $0x0  }
0xa3: {  	[sflag:s21] =	ssyncadd.s32 s4;
	_ =	sdelay $0x1  }
0xa4: {  	s22 =	simm.s32 $0x1B8B  }
0xa5: {  	_ =	swait.ge [sflag:s22], $0x1  }
0xa6: {  	[sflag:s22] =	ssyncset.done $0x0  }
0xa7: {  	s23 =	simm.s32 $0x1B8E;
	[sflag:s22] =	ssyncadd.s32 $0xFFFFFFFF  }
0xa8: {  	s24 =	simm.s32 $execute0_lowered;
	[smem:$0x3FD2] =	sst s23  }
0xa9: {  	s4 =	sshll.u32 s24, $0x1;
	_ =	strace $0x80000046;
	[dreg:$0x1] =	wrdreg $0xFFFFFFFF  }
0xaa: {  	s25 =	simm.s32 $_size_execute0_lowered;
	s3 =	sadd.s32 s3, s4;
	[dreg:$0x0] =	wrdreg $0x0  }
0xab: {  	s4 =	sshll.u32 s25, $0x1;
	[dreg:$0x2] =	wrdreg s3  }
0xac: {  	[dreg:$0x3] =	wrdreg s4  }
0xad: {  	[dreg:$0x4] =	wrdreg $0xC0  }
0xae: {  	_ =	task [dreg:s7], $0x5FFFF  }
0xaf: {  	[dreg:$0x1] =	wrdreg $0xFFFFFFFF  }
0xb0: {  	[dreg:$0x0] =	wrdreg $0x60  }
0xb1: {  	[dreg:$0x2] =	wrdreg s16  }
0xb2: {  	[dreg:$0x3] =	wrdreg s14  }
0xb3: {  	[dreg:$0x4] =	wrdreg s15  }
0xb4: {  	[dreg:$0x5] =	wrdreg $0x9  }
0xb5: {  	_ =	task.clear_ibuf [dreg:s7], $0x6FFFF;
	_ =	strace $0x90000046  }
0xb6: {  	s26 =	simm.s32 $0x9;
	_ =	strace $0x80000048  }
0xb7: {  	_ =	swait.ge [sflag:s26], $0x1  }
0xb8: {  	[sflag:s26] =	ssyncadd.s32 $0xFFFFFFFF  }
0xb9: {  	_ =	strace $0x90000048  }
0xba: {  	_ =	sfence  }
0xbb: {  	s28 =	sld [smem:$0x0];
	_ =	sdelay $0x1  }
0xbc: {  	s29 =	srdreg.scid  }
0xbd: {  	s30 =	sshll.u32 s29, $0xD;
	s31 =	sshrl.u32 s29, $0x2  }
0xbe: {  	s1 =	sand.u32 $0x1, s29;
	s2 =	sand.u32 $0x4000, s30;
	s0 =	sadd.s32 s31, s28  }
0xbf: {  	s1 =	sor.u32 s2, s1;
	s0 =	sshll.u32 s0, $0x11  }
0xc0: {  	s0 =	sor.u32 s0, s1  }
0xc1: {  	s0 =	sadd.s32 $0x8F2B, s0  }
0xc2: {  	[sflag:s0] =	ssyncadd.remote.s32 $0x1  }
0xc3: {  	_ =	sfence.sel $0xFFFF  }
0xc4: {  	[dreg:$0x0] =	wrdreg $0xFFFFFFFF;
	(pc) =	sbr.abs _section_cstart, $3  }
0xc5: {  	[dreg:$0x1] =	wrdreg $0xFFFFFFFF  }
0xc6: {  	_ =	task.clear_ibuf [dreg:s7], $0x2FFFF;
	_ =	strace $0x9FFFFFFF  }
0xc7: {  	(tm) =	ssettm $0x7FFFFFFF  }
tec
execute0_lowered:
.L_overlay_start_1:
0x0: {  	(tag) =	ssettag $0x1  }
0x1: {  	s1 =	rddreg [dreg:$0x0]  }
0x2: {  	s4 =	rddreg [dreg:$0x1]  }
0x3: {  	s2 =	rddreg [dreg:$0x2];
	s3 =	simm.s32 $0x0  }
0x4: {  	[smem:$0x7FF] =	sst s3  }
0x5: {  	s0 =	rddreg [dreg:$0x3];
	s5 =	simm.s32 $0x1;
	_ =	strace $0x80000047  }
0x6: {  	[tilespmem:s3], [sflag:$0x1] =	stream.linear.gather [hbm4b:s1+s3], $0x1000, $0x38;
	[tilespmem:$0x1180] =	vst v63  }
0x7: {  	s1 =	stileid.u32;
	_ =	swait.ge [sflag:s5], $0x1000  }
0x8: {  	s6 =	sshll.u32 s1, $0x1;
	[sflag:s5] =	ssyncset.done $0x0  }
0x9: {  	s29 =	simm.s32 $0x1000;
	s4 =	sadd.s32 s4, s6;
	[sflag:s5] =	ssyncadd.s32 $0xFFFFF000  }
0xa: {  	[tilespmem:s29], [sflag:$0x1] =	stream.linear.gather [hbm4b:s4+s3], $0x10, $0x38;
	[tilespmem:$0x1180] =	vst v63  }
0xb: {  	_ =	swait.ge [sflag:s5], $0x10  }
0xc: {  	[sflag:s5] =	ssyncset.done $0x0  }
0xd: {  	[sflag:s5] =	ssyncadd.s32 $0xFFFFFFF0  }
0xe: {  	v1 =	vld [tilespmem:$0x1000];
	_ =	sdelay $0x3  }
0xf: {  	v0 =	vmov s3  }
0x10: {  	v2 =	vperm.xlane v1, v0;
	_ =	sdelay $0x1  }
0x11: {  	v0 =	vlaneseq.u32;
	v2 =	vshll.u32 v2, $0x4  }
0x12: {  	v2 =	vor.u32 v0, v2  }
0x13: {  	s30 =	simm.s32 $0x1  }
0x14: {  	v3 =	vmov s30  }
0x15: {  	v3 =	vperm.xlane v1, v3;
	_ =	sdelay $0x1  }
0x16: {  	v3 =	vshll.u32 v3, $0x4;
	v2 =	vld.idx.msk [tilespmem:v2+s3+$0x0], $0xffff  }
0x17: {  	v3 =	vor.u32 v0, v3;
	_ =	sdelay $0x1  }
0x18: {  	s31 =	simm.s32 $0x2  }
0x19: {  	v4 =	vmov s31;
	s4 =	simm.s32 $0x1080;
	s5 =	simm.s32 $0x3  }
.LBB2_1:
0x1a: {  	p0 =	sne.s32 s5, $0xF;
	v4 =	vperm.xlane v1, v4;
	[tilespmem:s4+$0x0] =	vst v2  }
0x1b: {  	v2 =	vld.idx.msk [tilespmem:v3+s3+$0x0], $0xffff  }
.Ltmp0:
0x1c: {  	v3 =	vshll.u32 v4, $0x4;
	(pc) =	sbr.rel @p0 .LBB2_1-.Ltmp0, $2  }
0x1d: {  	v3 =	vor.u32 v0, v3;
	_ =	sdelay $0x2  }
0x1e: {  	s4 =	sadd.s32 $0x10, s4;
	v4 =	vmov s5;
	s5 =	sadd.s32 $0x1, s5  }
0x1f: {  	_ =	sdelay $0x1  }
0x20: {  	v1 =	vperm.xlane v1, v4  }
0x21: {  	[tilespmem:s4+$0x0] =	vst v2  }
0x22: {  	v2 =	vld.idx.msk [tilespmem:v3+s3+$0x0], $0xffff;
	v1 =	vshll.u32 v1, $0x4  }
0x23: {  	v0 =	vor.u32 v0, v1;
	_ =	sdelay $0x2  }
0x24: {  	s25 =	sadd.s32 $0x10, s4  }
0x25: {  	[tilespmem:s25+$0x0] =	vst v2  }
0x26: {  	v0 =	vld.idx.msk [tilespmem:v0+s3+$0x0], $0xffff;
	_ =	sdelay $0x3  }
0x27: {  	s28 =	sshll.u32 s1, $0x5;
	s29 =	simm.s32 $0x0;
	s26 =	sadd.s32 $0x10, s25  }
0x28: {  	s30 =	simm.s32 $0x1080;
	s31 =	simm.s32 $0x1;
	s2 =	sadd.s32 s2, s28;
	[tilespmem:s26+$0x0] =	vst v0  }
0x29: {  	[hbm4b:s2+s29] =	stream.linear.scatter [tilespmem:s30], [sflag:$0x1], $0x100, $0x38;
	[tilespmem:$0x1180] =	vst v63  }
0x2a: {  	_ =	swait.ge [sflag:s31], $0x100  }
0x2b: {  	[sflag:s31] =	ssyncset.done $0x0  }
0x2c: {  	[sflag:s31] =	ssyncadd.s32 $0xFFFFFF00  }
0x2d: {  	_ =	sfence.sel $0x180000  }
0x2e: {  	[bflag:$0x0] =	sbarrier.arrive $0xFFFF  }
0x2f: {  	p0 =	sne.s32 s1, $0x0;
	_ =	strace $0x90000047  }
0x30: {  	s0 =	sadd.s32 @!p0 $0x100000, s0;
	[bflag:$0x2] =	sbarrier.arrive $0xFFFF  }
0x31: {  	[sflag:s0] =	ssyncadd.tile.s32 @!p0 $0x1;
	_ =	shalt  }
.Lfunc_end2:
_tile_overlayer_lowered:
.L_overlay_start_2:
0x32: {  	(tag) =	ssettag $0x2  }
0x33: {  	s0 =	rddreg [dreg:$0x0];
	s2 =	stileid.u32  }
0x34: {  	s1 =	rddreg [dreg:$0x1];
	p0 =	sne.s32 s2, $0x0  }
0x35: {  	s3 =	rddreg [dreg:$0x2];
	[bflag:$0x3] =	sbarrier.arrive $0xFFFF;
	s2 =	simm.s32 @!p0 $0x1C01  }
0x36: {  	[timem:s3], [sflag:s2] =	dma.local @!p0 [hbm:s0], s1  }
0x37: {  	s0 =	simm.s32 @!p0 $0x1  }
0x38: {  	_ =	swait.ge @!p0 [sflag:s0], s1  }
0x39: {  	s1 =	ssub.s32 @!p0 $0x0, s1;
	[sflag:s0] =	ssyncset.done @!p0 $0x0  }
0x3a: {  	[sflag:s0] =	ssyncadd.s32 @!p0 s1  }
0x3b: {  	[bflag:$0x3] =	sbarrier.arrive $0xFFFF  }
0x3c: {  	_ =	shalt  }

</sc_bundles>
